<compile_context>
chip_gen: v7x
topology: tpu7x:2x2x1
jax: 0.10.2.dev20260603
libtpu: 0.0.44.dev20260713+nightly
codegen_flags: <defaults>
</compile_context>

<pallas_src>
import numpy as np
import jax
import jax.numpy as jnp
from jax import lax
from jax.experimental import pallas as pl

_INTERPRET = False

_SAMP = 8
_KNN = 3


def _prep_kernel(xs_ref, w_ref, b_ref, xsn_ref, pt_ref):
    xs = xs_ref[0]
    n2 = jnp.sqrt(jnp.sum(xs * xs, axis=0, keepdims=True))
    xsn_ref[0] = xs / jnp.maximum(n2, 1e-12)
    parts = []
    for k in range(_KNN):
        p = lax.dot_general(
            w_ref[k], xs,
            dimension_numbers=(((1,), (0,)), ((), ())),
            precision=lax.Precision.HIGHEST,
        )
        parts.append(p)
    pt = jnp.concatenate(parts, axis=1)
    pt_ref[0] = pt + b_ref[:, :1] / np.float32(_KNN)


def _main_kernel(x_ref, xsn_ref, pt_ref, o_ref):
    xt = x_ref[0]
    nq = jnp.sqrt(jnp.sum(xt * xt, axis=0, keepdims=True))
    xq = xt / jnp.maximum(nq, 1e-12)
    sim = lax.dot_general(
        xsn_ref[0], xq,
        dimension_numbers=(((0,), (0,)), ((), ())),
    )
    iota = lax.broadcasted_iota(jnp.int32, sim.shape, 0)
    sels = []
    for k in range(_KNN):
        v = jnp.max(sim, axis=0, keepdims=True)
        idx = jnp.where(sim == v, iota, 64)
        m = jnp.min(idx, axis=0, keepdims=True)
        sel = iota == m
        sels.append(sel.astype(jnp.float32))
        if k < _KNN - 1:
            sim = jnp.where(sel, -jnp.inf, sim)
    oh = jnp.concatenate(sels, axis=0)
    out = lax.dot_general(
        pt_ref[0], oh,
        dimension_numbers=(((1,), (0,)), ((), ())),
    )
    o_ref[0] = jnp.maximum(out, 0.0)


def kernel(x, W, b):
    B, C, H, Wd = x.shape
    N = H * Wd
    xi = np.round(np.linspace(0, H - 1, _SAMP)).astype(np.int32)
    yi = np.round(np.linspace(0, Wd - 1, _SAMP)).astype(np.int32)
    cols = (xi[:, None] * Wd + yi[None, :]).reshape(-1)

    xf = x.reshape(B, C, N)
    xs = xf[:, :, cols]
    Wr = jnp.transpose(W, (2, 0, 1))
    b2 = b.reshape(C, 1)

    M = _SAMP * _SAMP
    xsn, pt = pl.pallas_call(
        _prep_kernel,
        grid=(B,),
        in_specs=[
            pl.BlockSpec((1, C, M), lambda i: (i, 0, 0)),
            pl.BlockSpec((_KNN, C, C), lambda i: (0, 0, 0)),
            pl.BlockSpec((C, 1), lambda i: (0, 0)),
        ],
        out_specs=[
            pl.BlockSpec((1, C, M), lambda i: (i, 0, 0)),
            pl.BlockSpec((1, C, _KNN * M), lambda i: (i, 0, 0)),
        ],
        out_shape=[
            jax.ShapeDtypeStruct((B, C, M), jnp.float32),
            jax.ShapeDtypeStruct((B, C, _KNN * M), jnp.float32),
        ],
        interpret=_INTERPRET,
    )(xs, Wr, b2)

    TILE = 3584
    num_tiles = N // TILE
    out = pl.pallas_call(
        _main_kernel,
        grid=(B, num_tiles),
        in_specs=[
            pl.BlockSpec((1, C, TILE), lambda i, j: (i, 0, j)),
            pl.BlockSpec((1, C, M), lambda i, j: (i, 0, 0)),
            pl.BlockSpec((1, C, _KNN * M), lambda i, j: (i, 0, 0)),
        ],
        out_specs=pl.BlockSpec((1, C, TILE), lambda i, j: (i, 0, j)),
        out_shape=jax.ShapeDtypeStruct((B, C, N), jnp.float32),
        interpret=_INTERPRET,
    )(xf, xsn, pt)

    return out.reshape(B, C, H, Wd)

# --- scband reference (transcript-rebuilt; emitter-appended) ---
"""Pipeline reference for scband-conv2d-nn-spatial-7559142441291 (READ-ONLY COPY).

The authoritative reference and input builder live on the scoring server;
editing this copy changes nothing except your own understanding.
"""

import jax, jax.numpy as jnp
import numpy as np

SAMPLES = 8
KNN = 3
STRIDE = 3


def setup_inputs(seed: int = 0) -> dict:
    key = jax.random.key(seed)
    k1, k2, k3 = jax.random.split(key, 3)
    x = jax.random.normal(k1, (4, 96, 224, 224), dtype=jnp.float32)
    # Conv1d weight: [out_channels, in_channels, kernel_size]
    W = jax.random.normal(k2, (96, 96, KNN), dtype=jnp.float32) * np.float32(1.0 / np.sqrt(96 * KNN))
    b = jax.random.normal(k3, (96,), dtype=jnp.float32) * 0.01
    return {"x": x, "W": W, "b": b}


def reference(x, W, b):
    B, C, H, Wd = x.shape
    samples = SAMPLES
    sample_padding = 0
    # sample grid indices (Conv2d_NN_spatial.forward)
    x_ind = jnp.round(jnp.linspace(0 + sample_padding, H - sample_padding - 1, samples)).astype(jnp.int32)
    y_ind = jnp.round(jnp.linspace(0 + sample_padding, Wd - sample_padding - 1, samples)).astype(jnp.int32)
    xg, yg = jnp.meshgrid(x_ind, y_ind, indexing='ij')
    x_sample = x[:, :, xg, yg].reshape(B, C, samples * samples)  # [B, C, 64]
    x1 = x.reshape(B, C, H * Wd)  # flatten spatial dims -> [B, C, N]
    # similarity matrix (magnitude_type='similarity'): F.normalize along channel dim then bmm
    n1 = jnp.sqrt(jnp.sum(x1 * x1, axis=1, keepdims=True))
    x1n = x1 / jnp.maximum(n1, 1e-12)
    n2 = jnp.sqrt(jnp.sum(x_sample * x_sample, axis=1, keepdims=True))
    xsn = x_sample / jnp.maximum(n2, 1e-12)
    sim = jnp.einsum('bcn,bcm->bnm', x1n, xsn)  # [B, N, 64]
    # topk (largest=True for similarity) -> neighbor indices into the 64 samples
    _, ind = jax.lax.top_k(sim, KNN)  # [B, N, K]
    # gather neighbor features from the sampled keys: matrix_sample[:, ind]
    def gather_one(m, idx):
        return m[:, idx]  # [C, N, K]
    neigh = jax.vmap(gather_one)(x_sample, ind)
    prime = neigh.reshape(B, C, -1)  # flatten -> [B, C, N*K]
    out = jax.lax.conv_general_dilated(
        prime, W, window_strides=(STRIDE,), padding='VALID',
        dimension_numbers=('NCH', 'OIH', 'NCH'))
    out = out + b[None, :, None]
    out = jnp.maximum(out, 0.0)  # ReLU
    return out.reshape(B, W.shape[0], H, Wd)

if __name__ == "__main__":
    import jax
    _d = setup_inputs()
    print(jax.jit(kernel)(*tuple(_d.values())))

</pallas_src>

<mosaic_0001>
module attributes {stable_mosaic.version = 14 : i64} {
  func.func @_prep_kernel(%arg0: i32, %arg1: memref<1x96x64xf32, #tpu.memory_space<vmem>>, %arg2: memref<3x96x96xf32, #tpu.memory_space<vmem>>, %arg3: memref<96x1xf32, #tpu.memory_space<vmem>>, %arg4: memref<1x96x64xf32, #tpu.memory_space<vmem>>, %arg5: memref<1x96x192xf32, #tpu.memory_space<vmem>>) attributes {dimension_semantics = [#tpu.dimension_semantics<arbitrary>], iteration_bounds = array<i64: 4>, scalar_prefetch = 0 : i64, scratch_operands = 0 : i64, tpu.core_type = #tpu.core_type<tc>, window_params = [{transform_indices = @transform_0, window_bounds = array<i64: 1, 96, 64>}, {pipeline_mode = #tpu.pipeline_mode<synchronous>, transform_indices = @transform_1, window_bounds = array<i64: 3, 96, 96>}, {pipeline_mode = #tpu.pipeline_mode<synchronous>, transform_indices = @transform_2, window_bounds = array<i64: 96, 1>}, {transform_indices = @transform_3, window_bounds = array<i64: 1, 96, 64>}, {transform_indices = @transform_4, window_bounds = array<i64: 1, 96, 192>}]} {
    %get3A = arith.constant 0 : index
    %get3A_0 = arith.constant 0 : index
    %get3A_1 = arith.constant 0 : index
    %get3A_2 = vector.load %arg1[%get3A, %get3A_0, %get3A_1] : memref<1x96x64xf32, #tpu.memory_space<vmem>>, vector<1x96x64xf32>
    %get3A_3 = vector.shape_cast %get3A_2 : vector<1x96x64xf32> to vector<96x64xf32>
    %mul3A = arith.mulf %get3A_3, %get3A_3 : vector<96x64xf32>
    %reduce_sum3A = arith.constant dense<0.000000e+00> : vector<64xf32>
    %reduce_sum3A_4 = vector.multi_reduction <add>, %mul3A, %reduce_sum3A [0] : vector<96x64xf32> to vector<64xf32>
    %broadcast_in_dim3A = vector.shape_cast %reduce_sum3A_4 : vector<64xf32> to vector<1x64xf32>
    %sqrt3A = math.sqrt %broadcast_in_dim3A : vector<1x64xf32>
    %max3A = arith.constant 9.99999996E-13 : f32
    %max3A_5 = vector.broadcast %max3A : f32 to vector<1x64xf32>
    %max3A_6 = arith.maximumf %sqrt3A, %max3A_5 : vector<1x64xf32>
    %div3A = vector.broadcast %max3A_6 : vector<1x64xf32> to vector<96x64xf32>
    %div3A_7 = arith.divf %get3A_3, %div3A : vector<96x64xf32>
    %swap3A = arith.constant 0 : index
    %swap3A_8 = arith.constant 0 : index
    %swap3A_9 = arith.constant 0 : index
    %swap3A_10 = vector.load %arg4[%swap3A, %swap3A_8, %swap3A_9] : memref<1x96x64xf32, #tpu.memory_space<vmem>>, vector<1x96x64xf32>
    %swap3A_11 = vector.shape_cast %swap3A_10 : vector<1x96x64xf32> to vector<96x64xf32>
    %swap3A_12 = vector.shape_cast %div3A_7 : vector<96x64xf32> to vector<1x96x64xf32>
    tpu.vector_store %arg4[%swap3A, %swap3A_8, %swap3A_9], %swap3A_12 {strides = array<i32>} : memref<1x96x64xf32, #tpu.memory_space<vmem>>, vector<1x96x64xf32>,
    %get3A_13 = arith.constant 0 : index
    %get3A_14 = arith.constant 0 : index
    %get3A_15 = arith.constant 0 : index
    %get3A_16 = vector.load %arg2[%get3A_13, %get3A_14, %get3A_15] : memref<3x96x96xf32, #tpu.memory_space<vmem>>, vector<1x96x96xf32>
    %get3A_17 = vector.shape_cast %get3A_16 : vector<1x96x96xf32> to vector<96x96xf32>
    %dot_general3A = arith.constant dense<0.000000e+00> : vector<96x64xf32>
    %dot_general3A_18 = tpu.matmul %get3A_17, %get3A_3, %dot_general3A {dimension_numbers = #tpu.dot_dimension_numbers<[1], [0], [0], [1], [0, 0, 1, 1], [], []>, precision = #tpu.contract_precision<fp32>, transpose_lhs_hint = false} : vector<96x96xf32>, vector<96x64xf32>, vector<96x64xf32> -> vector<96x64xf32>
    %get3A_19 = arith.constant 1 : index
    %get3A_20 = arith.constant 0 : index
    %get3A_21 = arith.constant 0 : index
    %get3A_22 = vector.load %arg2[%get3A_19, %get3A_20, %get3A_21] : memref<3x96x96xf32, #tpu.memory_space<vmem>>, vector<1x96x96xf32>
    %get3A_23 = vector.shape_cast %get3A_22 : vector<1x96x96xf32> to vector<96x96xf32>
    %dot_general3A_24 = arith.constant dense<0.000000e+00> : vector<96x64xf32>
    %dot_general3A_25 = tpu.matmul %get3A_23, %get3A_3, %dot_general3A_24 {dimension_numbers = #tpu.dot_dimension_numbers<[1], [0], [0], [1], [0, 0, 1, 1], [], []>, precision = #tpu.contract_precision<fp32>, transpose_lhs_hint = false} : vector<96x96xf32>, vector<96x64xf32>, vector<96x64xf32> -> vector<96x64xf32>
    %get3A_26 = arith.constant 2 : index
    %get3A_27 = arith.constant 0 : index
    %get3A_28 = arith.constant 0 : index
    %get3A_29 = vector.load %arg2[%get3A_26, %get3A_27, %get3A_28] : memref<3x96x96xf32, #tpu.memory_space<vmem>>, vector<1x96x96xf32>
    %get3A_30 = vector.shape_cast %get3A_29 : vector<1x96x96xf32> to vector<96x96xf32>
    %dot_general3A_31 = arith.constant dense<0.000000e+00> : vector<96x64xf32>
    %dot_general3A_32 = tpu.matmul %get3A_30, %get3A_3, %dot_general3A_31 {dimension_numbers = #tpu.dot_dimension_numbers<[1], [0], [0], [1], [0, 0, 1, 1], [], []>, precision = #tpu.contract_precision<fp32>, transpose_lhs_hint = false} : vector<96x96xf32>, vector<96x64xf32>, vector<96x64xf32> -> vector<96x64xf32>
    %concatenate3A = tpu.concatenate %dot_general3A_18, %dot_general3A_25, %dot_general3A_32 in 1 : vector<96x64xf32>, vector<96x64xf32>, vector<96x64xf32> -> vector<96x192xf32>
    %get3A_33 = arith.constant 0 : index
    %get3A_34 = arith.constant 0 : index
    %get3A_35 = vector.load %arg3[%get3A_33, %get3A_34] : memref<96x1xf32, #tpu.memory_space<vmem>>, vector<96x1xf32>
    %div3A_36 = arith.constant 3.000000e+00 : f32
    %div3A_37 = vector.broadcast %div3A_36 : f32 to vector<96x1xf32>
    %div3A_38 = arith.divf %get3A_35, %div3A_37 : vector<96x1xf32>
    %add3A = vector.broadcast %div3A_38 : vector<96x1xf32> to vector<96x192xf32>
    %add3A_39 = arith.addf %concatenate3A, %add3A : vector<96x192xf32>
    %swap3A_40 = arith.constant 0 : index
    %swap3A_41 = arith.constant 0 : index
    %swap3A_42 = arith.constant 0 : index
    %swap3A_43 = vector.load %arg5[%swap3A_40, %swap3A_41, %swap3A_42] : memref<1x96x192xf32, #tpu.memory_space<vmem>>, vector<1x96x192xf32>
    %swap3A_44 = vector.shape_cast %swap3A_43 : vector<1x96x192xf32> to vector<96x192xf32>
    %swap3A_45 = vector.shape_cast %add3A_39 : vector<96x192xf32> to vector<1x96x192xf32>
    tpu.vector_store %arg5[%swap3A_40, %swap3A_41, %swap3A_42], %swap3A_45 {strides = array<i32>} : memref<1x96x192xf32, #tpu.memory_space<vmem>>, vector<1x96x192xf32>,
    return
  }
  func.func @transform_0(%arg0: i32) -> (i32, i32, i32) {
    %c0_i32 = arith.constant 0 : i32
    %c0_i32_0 = arith.constant 0 : i32
    %c0_i32_1 = arith.constant 0 : i32
    return %arg0, %c0_i32, %c0_i32_0 : i32, i32, i32
  }
  func.func @transform_1(%arg0: i32) -> (i32, i32, i32) {
    %c0_i32 = arith.constant 0 : i32
    %c0_i32_0 = arith.constant 0 : i32
    %c0_i32_1 = arith.constant 0 : i32
    %c0_i32_2 = arith.constant 0 : i32
    return %c0_i32, %c0_i32_0, %c0_i32_1 : i32, i32, i32
  }
  func.func @transform_2(%arg0: i32) -> (i32, i32) {
    %c0_i32 = arith.constant 0 : i32
    %c0_i32_0 = arith.constant 0 : i32
    %c0_i32_1 = arith.constant 0 : i32
    return %c0_i32, %c0_i32_0 : i32, i32
  }
  func.func @transform_3(%arg0: i32) -> (i32, i32, i32) {
    %c0_i32 = arith.constant 0 : i32
    %c0_i32_0 = arith.constant 0 : i32
    %c0_i32_1 = arith.constant 0 : i32
    return %arg0, %c0_i32, %c0_i32_0 : i32, i32, i32
  }
  func.func @transform_4(%arg0: i32) -> (i32, i32, i32) {
    %c0_i32 = arith.constant 0 : i32
    %c0_i32_0 = arith.constant 0 : i32
    %c0_i32_1 = arith.constant 0 : i32
    return %arg0, %c0_i32, %c0_i32_0 : i32, i32, i32
  }
}

module attributes {stable_mosaic.version = 14 : i64} {
  func.func @_main_kernel(%arg0: i32, %arg1: i32, %arg2: memref<1x96x3584xf32, #tpu.memory_space<vmem>>, %arg3: memref<1x96x64xf32, #tpu.memory_space<vmem>>, %arg4: memref<1x96x192xf32, #tpu.memory_space<vmem>>, %arg5: memref<1x96x3584xf32, #tpu.memory_space<vmem>>) attributes {dimension_semantics = [#tpu.dimension_semantics<arbitrary>, #tpu.dimension_semantics<arbitrary>], iteration_bounds = array<i64: 4, 14>, scalar_prefetch = 0 : i64, scratch_operands = 0 : i64, tpu.core_type = #tpu.core_type<tc>, window_params = [{transform_indices = @transform_0, window_bounds = array<i64: 1, 96, 3584>}, {transform_indices = @transform_1, window_bounds = array<i64: 1, 96, 64>}, {transform_indices = @transform_2, window_bounds = array<i64: 1, 96, 192>}, {transform_indices = @transform_3, window_bounds = array<i64: 1, 96, 3584>}]} {
    %get3A = arith.constant 0 : index
    %get3A_0 = arith.constant 0 : index
    %get3A_1 = arith.constant 0 : index
    %get3A_2 = vector.load %arg2[%get3A, %get3A_0, %get3A_1] : memref<1x96x3584xf32, #tpu.memory_space<vmem>>, vector<1x96x3584xf32>
    %get3A_3 = vector.shape_cast %get3A_2 : vector<1x96x3584xf32> to vector<96x3584xf32>
    %mul3A = arith.mulf %get3A_3, %get3A_3 : vector<96x3584xf32>
    %reduce_sum3A = arith.constant dense<0.000000e+00> : vector<3584xf32>
    %reduce_sum3A_4 = vector.multi_reduction <add>, %mul3A, %reduce_sum3A [0] : vector<96x3584xf32> to vector<3584xf32>
    %broadcast_in_dim3A = vector.shape_cast %reduce_sum3A_4 : vector<3584xf32> to vector<1x3584xf32>
    %sqrt3A = math.sqrt %broadcast_in_dim3A : vector<1x3584xf32>
    %max3A = arith.constant 9.99999996E-13 : f32
    %max3A_5 = vector.broadcast %max3A : f32 to vector<1x3584xf32>
    %max3A_6 = arith.maximumf %sqrt3A, %max3A_5 : vector<1x3584xf32>
    %div3A = vector.broadcast %max3A_6 : vector<1x3584xf32> to vector<96x3584xf32>
    %div3A_7 = arith.divf %get3A_3, %div3A : vector<96x3584xf32>
    %get3A_8 = arith.constant 0 : index
    %get3A_9 = arith.constant 0 : index
    %get3A_10 = arith.constant 0 : index
    %get3A_11 = vector.load %arg3[%get3A_8, %get3A_9, %get3A_10] : memref<1x96x64xf32, #tpu.memory_space<vmem>>, vector<1x96x64xf32>
    %get3A_12 = vector.shape_cast %get3A_11 : vector<1x96x64xf32> to vector<96x64xf32>
    %dot_general3A = arith.constant dense<0.000000e+00> : vector<64x3584xf32>
    %dot_general3A_13 = tpu.matmul %get3A_12, %div3A_7, %dot_general3A {dimension_numbers = #tpu.dot_dimension_numbers<[0], [0], [1], [1], [0, 1, 1, 1], [], []>, transpose_lhs_hint = false} : vector<96x64xf32>, vector<96x3584xf32>, vector<64x3584xf32> -> vector<64x3584xf32>
    %iota3A = tpu.iota {dimensions = array<i32: 0>} : vector<64x3584xi32>
    %reduce_max3A = arith.constant dense<0xFF800000> : vector<3584xf32>
    %reduce_max3A_14 = vector.multi_reduction <maximumf>, %dot_general3A_13, %reduce_max3A [0] : vector<64x3584xf32> to vector<3584xf32>
    %broadcast_in_dim3A_15 = vector.shape_cast %reduce_max3A_14 : vector<3584xf32> to vector<1x3584xf32>
    %eq3A = vector.broadcast %broadcast_in_dim3A_15 : vector<1x3584xf32> to vector<64x3584xf32>
    %eq3A_16 = arith.cmpf oeq, %dot_general3A_13, %eq3A : vector<64x3584xf32>
    %jit3A = arith.constant 64 : i32
    %broadcast_in_dim3A_17 = vector.broadcast %jit3A : i32 to vector<64x3584xi32>
    %select_n3A = arith.select %eq3A_16, %iota3A, %broadcast_in_dim3A_17 : vector<64x3584xi1>, vector<64x3584xi32>
    %reduce_min3A = arith.constant dense<2147483647> : vector<3584xi32>
    %reduce_min3A_18 = vector.multi_reduction <minsi>, %select_n3A, %reduce_min3A [0] : vector<64x3584xi32> to vector<3584xi32>
    %broadcast_in_dim3A_19 = vector.shape_cast %reduce_min3A_18 : vector<3584xi32> to vector<1x3584xi32>
    %eq3A_20 = vector.broadcast %broadcast_in_dim3A_19 : vector<1x3584xi32> to vector<64x3584xi32>
    %eq3A_21 = arith.cmpi eq, %iota3A, %eq3A_20 : vector<64x3584xi32>
    %convert_element_type3A = arith.extui %eq3A_21 : vector<64x3584xi1> to vector<64x3584xi32>
    %convert_element_type3A_22 = arith.sitofp %convert_element_type3A : vector<64x3584xi32> to vector<64x3584xf32>
    %jit3A_23 = arith.constant 0xFF800000 : f32
    %broadcast_in_dim3A_24 = vector.broadcast %jit3A_23 : f32 to vector<64x3584xf32>
    %select_n3A_25 = arith.select %eq3A_21, %broadcast_in_dim3A_24, %dot_general3A_13 : vector<64x3584xi1>, vector<64x3584xf32>
    %reduce_max3A_26 = arith.constant dense<0xFF800000> : vector<3584xf32>
    %reduce_max3A_27 = vector.multi_reduction <maximumf>, %select_n3A_25, %reduce_max3A_26 [0] : vector<64x3584xf32> to vector<3584xf32>
    %broadcast_in_dim3A_28 = vector.shape_cast %reduce_max3A_27 : vector<3584xf32> to vector<1x3584xf32>
    %eq3A_29 = vector.broadcast %broadcast_in_dim3A_28 : vector<1x3584xf32> to vector<64x3584xf32>
    %eq3A_30 = arith.cmpf oeq, %select_n3A_25, %eq3A_29 : vector<64x3584xf32>
    %jit3A_31 = arith.constant 64 : i32
    %broadcast_in_dim3A_32 = vector.broadcast %jit3A_31 : i32 to vector<64x3584xi32>
    %select_n3A_33 = arith.select %eq3A_30, %iota3A, %broadcast_in_dim3A_32 : vector<64x3584xi1>, vector<64x3584xi32>
    %reduce_min3A_34 = arith.constant dense<2147483647> : vector<3584xi32>
    %reduce_min3A_35 = vector.multi_reduction <minsi>, %select_n3A_33, %reduce_min3A_34 [0] : vector<64x3584xi32> to vector<3584xi32>
    %broadcast_in_dim3A_36 = vector.shape_cast %reduce_min3A_35 : vector<3584xi32> to vector<1x3584xi32>
    %eq3A_37 = vector.broadcast %broadcast_in_dim3A_36 : vector<1x3584xi32> to vector<64x3584xi32>
    %eq3A_38 = arith.cmpi eq, %iota3A, %eq3A_37 : vector<64x3584xi32>
    %convert_element_type3A_39 = arith.extui %eq3A_38 : vector<64x3584xi1> to vector<64x3584xi32>
    %convert_element_type3A_40 = arith.sitofp %convert_element_type3A_39 : vector<64x3584xi32> to vector<64x3584xf32>
    %jit3A_41 = arith.constant 0xFF800000 : f32
    %broadcast_in_dim3A_42 = vector.broadcast %jit3A_41 : f32 to vector<64x3584xf32>
    %select_n3A_43 = arith.select %eq3A_38, %broadcast_in_dim3A_42, %select_n3A_25 : vector<64x3584xi1>, vector<64x3584xf32>
    %reduce_max3A_44 = arith.constant dense<0xFF800000> : vector<3584xf32>
    %reduce_max3A_45 = vector.multi_reduction <maximumf>, %select_n3A_43, %reduce_max3A_44 [0] : vector<64x3584xf32> to vector<3584xf32>
    %broadcast_in_dim3A_46 = vector.shape_cast %reduce_max3A_45 : vector<3584xf32> to vector<1x3584xf32>
    %eq3A_47 = vector.broadcast %broadcast_in_dim3A_46 : vector<1x3584xf32> to vector<64x3584xf32>
    %eq3A_48 = arith.cmpf oeq, %select_n3A_43, %eq3A_47 : vector<64x3584xf32>
    %jit3A_49 = arith.constant 64 : i32
    %broadcast_in_dim3A_50 = vector.broadcast %jit3A_49 : i32 to vector<64x3584xi32>
    %select_n3A_51 = arith.select %eq3A_48, %iota3A, %broadcast_in_dim3A_50 : vector<64x3584xi1>, vector<64x3584xi32>
    %reduce_min3A_52 = arith.constant dense<2147483647> : vector<3584xi32>
    %reduce_min3A_53 = vector.multi_reduction <minsi>, %select_n3A_51, %reduce_min3A_52 [0] : vector<64x3584xi32> to vector<3584xi32>
    %broadcast_in_dim3A_54 = vector.shape_cast %reduce_min3A_53 : vector<3584xi32> to vector<1x3584xi32>
    %eq3A_55 = vector.broadcast %broadcast_in_dim3A_54 : vector<1x3584xi32> to vector<64x3584xi32>
    %eq3A_56 = arith.cmpi eq, %iota3A, %eq3A_55 : vector<64x3584xi32>
    %convert_element_type3A_57 = arith.extui %eq3A_56 : vector<64x3584xi1> to vector<64x3584xi32>
    %convert_element_type3A_58 = arith.sitofp %convert_element_type3A_57 : vector<64x3584xi32> to vector<64x3584xf32>
    %concatenate3A = tpu.concatenate %convert_element_type3A_22, %convert_element_type3A_40, %convert_element_type3A_58 in 0 : vector<64x3584xf32>, vector<64x3584xf32>, vector<64x3584xf32> -> vector<192x3584xf32>
    %get3A_59 = arith.constant 0 : index
    %get3A_60 = arith.constant 0 : index
    %get3A_61 = arith.constant 0 : index
    %get3A_62 = vector.load %arg4[%get3A_59, %get3A_60, %get3A_61] : memref<1x96x192xf32, #tpu.memory_space<vmem>>, vector<1x96x192xf32>
    %get3A_63 = vector.shape_cast %get3A_62 : vector<1x96x192xf32> to vector<96x192xf32>
    %dot_general3A_64 = arith.constant dense<0.000000e+00> : vector<96x3584xf32>
    %dot_general3A_65 = tpu.matmul %get3A_63, %concatenate3A, %dot_general3A_64 {dimension_numbers = #tpu.dot_dimension_numbers<[1], [0], [0], [1], [0, 0, 1, 1], [], []>, transpose_lhs_hint = false} : vector<96x192xf32>, vector<192x3584xf32>, vector<96x3584xf32> -> vector<96x3584xf32>
    %max3A_66 = arith.constant 0.000000e+00 : f32
    %max3A_67 = vector.broadcast %max3A_66 : f32 to vector<96x3584xf32>
    %max3A_68 = arith.maximumf %dot_general3A_65, %max3A_67 : vector<96x3584xf32>
    %swap3A = arith.constant 0 : index
    %swap3A_69 = arith.constant 0 : index
    %swap3A_70 = arith.constant 0 : index
    %swap3A_71 = vector.load %arg5[%swap3A, %swap3A_69, %swap3A_70] : memref<1x96x3584xf32, #tpu.memory_space<vmem>>, vector<1x96x3584xf32>
    %swap3A_72 = vector.shape_cast %swap3A_71 : vector<1x96x3584xf32> to vector<96x3584xf32>
    %swap3A_73 = vector.shape_cast %max3A_68 : vector<96x3584xf32> to vector<1x96x3584xf32>
    tpu.vector_store %arg5[%swap3A, %swap3A_69, %swap3A_70], %swap3A_73 {strides = array<i32>} : memref<1x96x3584xf32, #tpu.memory_space<vmem>>, vector<1x96x3584xf32>,
    return
  }
  func.func @transform_0(%arg0: i32, %arg1: i32) -> (i32, i32, i32) {
    %c0_i32 = arith.constant 0 : i32
    %c0_i32_0 = arith.constant 0 : i32
    return %arg0, %c0_i32, %arg1 : i32, i32, i32
  }
  func.func @transform_1(%arg0: i32, %arg1: i32) -> (i32, i32, i32) {
    %c0_i32 = arith.constant 0 : i32
    %c0_i32_0 = arith.constant 0 : i32
    %c0_i32_1 = arith.constant 0 : i32
    return %arg0, %c0_i32, %c0_i32_0 : i32, i32, i32
  }
  func.func @transform_2(%arg0: i32, %arg1: i32) -> (i32, i32, i32) {
    %c0_i32 = arith.constant 0 : i32
    %c0_i32_0 = arith.constant 0 : i32
    %c0_i32_1 = arith.constant 0 : i32
    return %arg0, %c0_i32, %c0_i32_0 : i32, i32, i32
  }
  func.func @transform_3(%arg0: i32, %arg1: i32) -> (i32, i32, i32) {
    %c0_i32 = arith.constant 0 : i32
    %c0_i32_0 = arith.constant 0 : i32
    return %arg0, %c0_i32, %arg1 : i32, i32, i32
  }
}

</mosaic_0001>

<sc_bundles>
// kernel: sparse-core-data-format-call.cloned.1.call-start
scs
called_computation_lowered:
.L_overlay_start_0:
0x0: {  	s2 =	sld [smem:$0x3FD9]  }
0x1: {  	s3 =	sld [smem:$0x3FFE];
	_ =	sdelay $0x1  }
0x2: {  	s1 =	srdreg.scid  }
0x3: {  	s0 =	sand.u32 $0x1, s1  }
0x4: {  	s18 =	sshll.u32 s0, $0xA;
	s2 =	sadd.s32 s3, s2  }
0x5: {  	s2 =	sadd.s32 s2, s18  }
0x6: {  	[smem:$0x3FC5] =	sst s2  }
0x7: {  	_ = 	snop  }
0x8: {  	s2 =	sld [smem:$0x3FD0];
	(tm) =	ssettm $0x1  }
0x9: {  	s19 =	sld [smem:$0x3FFB];
	_ =	sdelay $0x3  }
0xa: {  	_ =	strace s19  }
0xb: {  	s3 =	sld [smem:$0x3FFC];
	_ =	sdelay $0x3  }
0xc: {  	_ =	strace s3  }
0xd: {  	s3 =	sld [smem:$0x3FFD];
	_ =	sdelay $0x3  }
0xe: {  	_ =	strace s3  }
0xf: {  	_ =	strace $0x8FFFFFFF  }
0x10: {  	s20 =	sld [smem:$0x3FDB];
	_ =	sdelay $0x1  }
0x11: {  	s4 =	simm.s32 $_scs_section_size  }
0x12: {  	s5 =	simm.s32 $_size__tile_overlayer_lowered;
	s6 =	simm.s32 $_tile_overlayer_lowered  }
0x13: {  	s23 =	simm.s32 $0x1BFF;
	s22 =	sshll.u32 s6, $0x1;
	s3 =	sadd.s32 s4, s20  }
0x14: {  	s7 =	simm.s32 $0x0;
	s21 =	sshll.u32 s5, $0x1;
	s5 =	sadd.s32 s22, s3  }
0x15: {  	[timem:s7], [sflag:s23] =	dma.local [hbm:s5], s21  }
0x16: {  	_ =	swait.ge [sflag:s23], s21  }
0x17: {  	s4 =	ssub.s32 $0x0, s21;
	[sflag:s23] =	ssyncset.done $0x0  }
0x18: {  	[sflag:s23] =	ssyncadd.s32 s4;
	_ =	sdelay $0x1  }
0x19: {  	s24 =	simm.s32 $0x1B8B  }
0x1a: {  	_ =	swait.ge [sflag:s24], $0x1  }
0x1b: {  	[sflag:s24] =	ssyncset.done $0x0  }
0x1c: {  	s26 =	simm.s32 $0x1B8E;
	s25 =	sld [smem:$0x3FFE];
	[sflag:s24] =	ssyncadd.s32 $0xFFFFFFFF  }
0x1d: {  	s27 =	simm.s32 $execute0_lowered;
	[smem:$0x3FD2] =	sst s26  }
0x1e: {  	s5 =	sshll.u32 s27, $0x1;
	_ =	strace $0x80000046;
	[dreg:$0x1] =	wrdreg $0xFFFFFFFF  }
0x1f: {  	s28 =	simm.s32 $_size_execute0_lowered;
	s3 =	sadd.s32 s3, s5;
	[dreg:$0x0] =	wrdreg $0x0  }
0x20: {  	s5 =	sshll.u32 s28, $0x1;
	[dreg:$0x2] =	wrdreg s3  }
0x21: {  	[dreg:$0x3] =	wrdreg s5  }
0x22: {  	[dreg:$0x4] =	wrdreg $0xC0  }
0x23: {  	_ =	task [dreg:s7], $0x5FFFF  }
0x24: {  	[dreg:$0x1] =	wrdreg $0xFFFFFFFF  }
0x25: {  	[dreg:$0x0] =	wrdreg $0x60  }
0x26: {  	[dreg:$0x2] =	wrdreg s2  }
0x27: {  	[dreg:$0x3] =	wrdreg s25  }
0x28: {  	[dreg:$0x4] =	wrdreg $0x9  }
0x29: {  	_ =	task.clear_ibuf [dreg:s7], $0x5FFFF;
	_ =	strace $0x90000046  }
0x2a: {  	s29 =	simm.s32 $0x9;
	_ =	strace $0x80000048  }
0x2b: {  	_ =	swait.ge [sflag:s29], $0x1  }
0x2c: {  	[sflag:s29] =	ssyncadd.s32 $0xFFFFFFFF  }
0x2d: {  	_ =	strace $0x90000048  }
0x2e: {  	_ =	sfence  }
0x2f: {  	s30 =	sld [smem:$0x0];
	_ =	sdelay $0x2  }
0x30: {  	s31 =	sshll.u32 s1, $0xD;
	s1 =	sshrl.u32 s1, $0x2  }
0x31: {  	s3 =	sand.u32 $0x4000, s31;
	s1 =	sadd.s32 s1, s30  }
0x32: {  	s0 =	sor.u32 s3, s0;
	s1 =	sshll.u32 s1, $0x11  }
0x33: {  	s0 =	sor.u32 s1, s0  }
0x34: {  	s0 =	sadd.s32 $0x8F2B, s0  }
0x35: {  	[sflag:s0] =	ssyncadd.remote.s32 $0x1  }
0x36: {  	_ =	sfence.sel $0xFFFF  }
0x37: {  	[dreg:$0x0] =	wrdreg $0xFFFFFFFF;
	(pc) =	sbr.abs _section_cstart, $3  }
0x38: {  	[dreg:$0x1] =	wrdreg $0xFFFFFFFF  }
0x39: {  	_ =	task.clear_ibuf [dreg:s7], $0x2FFFF;
	_ =	strace $0x9FFFFFFF  }
0x3a: {  	(tm) =	ssettm $0x7FFFFFFF  }
0x3b: {  	_ =	shalt  }
tec
execute0_lowered:
.L_overlay_start_1:
0x0: {  	(tag) =	ssettag $0x1  }
0x1: {  	s0 =	stileid.u32;
	s2 =	rddreg [dreg:$0x0]  }
0x2: {  	s1 =	srdreg.scid;
	s4 =	rddreg [dreg:$0x1]  }
0x3: {  	s8 =	simm.s32 $0x1;
	s9 =	simm.s32 $0x2;
	s15 =	simm.s32 $0x0  }
0x4: {  	s14 =	simm.s32 $0x0;
	s3 =	sshll.u32 s0, $0x5;
	s1 =	sshll.u32 s1, $0x9  }
0x5: {  	s16 =	simm.s32 $0x0;
	s11 =	simm.s32 $0x0;
	s1 =	sor.u32 s3, s1  }
0x6: {  	s13 =	simm.s32 $0x0;
	s5 =	sand.u32 $0x3, s0;
	s3 =	sand.u32 $0x380, s1  }
0x7: {  	s4 =	sadd.s32 $0xC00, s4;
	s12 =	smov.u32 s5;
	s7 =	ssub.s32 $0xC400, s3  }
.Ltmp0:
0x8: {  	s1 =	rddreg [dreg:$0x2];
	s6 =	sand.u32 $0x380, s7;
	(pc) =	sbr.rel .LBB1_1-.Ltmp0, $4  }
0x9: {  	_ =	strace $0x80000047;
	s10 =	smov.u32 s3;
	p0 =	sne.s32 s6, $0x0  }
0xa: {  	s7 =	sshrl.u32 s7, $0xA;
	s6 =	simm.s32 $0x1;
	s8 =	simm.s32 @!p0 $0x0  }
0xb: {  	[sflag:s6] =	ssyncpa.u1 $0x0;
	p0 =	por $0x0, $0x0;
	s7 =	sadd.s32 s8, s7  }
0xc: {  	[sflag:s9] =	ssyncpa.u1 $0x0;
	s9 =	simm.s32 $0x200;
	s8 =	sadd.s32 $0x1, s7  }
.LBB1_4:
0xd: {  	v5 =	vld [tilespmem:s20+$0xFFFFFFD0];
	[tilespmem:s19+$0x2040 ss:$0x81] =	vst.msk $0xffff, v1  }
0xe: {  	v58 =	vld [tilespmem:s20+$0xFFFFFFE0];
	[tilespmem:s19+$0x2850 ss:$0x81] =	vst.msk $0xffff, v2  }
0xf: {  	s21 =	sshra.s32 s21, $0x2;
	v59 =	vld [tilespmem:s20+$0xFFFFFFF0];
	[tilespmem:s19+$0x3060 ss:$0x81] =	vst.msk $0xffff, v3  }
0x10: {  	v60 =	vld [tilespmem:s20+$0x0];
	[tilespmem:s19+$0x0 ss:$0x81] =	vst.msk $0xffff, v0;
	s18 =	sadd.s32 s21, s18  }
0x11: {  	v61 =	vld [tilespmem:s20+$0x10];
	[tilespmem:s18+$0x3870 ss:$0x81] =	vst.msk $0xffff, v4  }
0x12: {  	v62 =	vld [tilespmem:s20+$0x20];
	[tilespmem:s18+$0x810 ss:$0x81] =	vst.msk $0xffff, v5  }
0x13: {  	v63 =	vld [tilespmem:s20+$0xFFFFFFC0];
	[tilespmem:s18+$0x1020 ss:$0x81] =	vst.msk $0xffff, v58  }
0x14: {  	s16 =	sshll.u32 s16, $0x4;
	[tilespmem:s18+$0x1830 ss:$0x81] =	vst.msk $0xffff, v59  }
0x15: {  	s15 =	sshll.u32 s15, $0x6;
	s16 =	sand.u32 $0x30, s16;
	[tilespmem:s18+$0x2040 ss:$0x81] =	vst.msk $0xffff, v60  }
0x16: {  	s30 =	sshrl.u32 s14, $0x3;
	s31 =	sand.u32 $0x7, s14;
	s16 =	sadd.s32 s4, s16;
	[tilespmem:s18+$0x2850 ss:$0x81] =	vst.msk $0xffff, v61  }
0x17: {  	s19 =	sand.u32 $0xF, s30;
	s14 =	sshll.u32 s31, $0x12;
	s15 =	sadd.s32 s15, s16;
	[tilespmem:s18+$0x3060 ss:$0x81] =	vst.msk $0xffff, v62  }
0x18: {  	s14 =	sor.u32 $0x80, s14;
	s15 =	sadd.s32 s19, s15;
	[tilespmem:s18+$0x0 ss:$0x81] =	vst.msk $0xffff, v63  }
0x19: {  	[hbm4b:s15+s14] =	stream.strided.scatter [tilespmem:s17], [sflag:$0x2], $0x4000, s9, s14, $0x20;
	[tilespmem:$0x10100] =	vst v63  }
.LBB1_5:
0x1a: {  	s17 =	sadd.s32 $0x400, s10  }
0x1b: {  	s14 =	sadd.s32 $0x80, s11;
	s18 =	smov.u32 s11;
	p2 =	sgt.s32 s17, $0xC3FF  }
0x1c: {  	s18 =	smov.u32 @p2 s14  }
0x1d: {  	s20 =	smov.u32 s12;
	s14 =	sadd.s32 $0x4, s12;
	p3 =	sgt.s32 s18, $0x5F  }
0x1e: {  	s20 =	smov.u32 @p3 s14  }
0x1f: {  	s17 =	smov.u32 @p2 s3;
	p2 =	sgt.s32 s20, $0x3  }
0x20: {  	p1 =	slt.u32 s13, $0x2;
	s20 =	smov.u32 @p2 s5;
	p2 =	sne.s32 s13, s8  }
.Ltmp1:
0x21: {  	s19 =	simm.s32 @!p1 $0x2;
	(pc) =	sbr.rel @!p2 .LBB1_6-.Ltmp1, $4  }
0x22: {  	s15 =	smov.u32 s10;
	s16 =	smov.u32 s12;
	_ =	swait.ge @!p1 [sflag:s19], $0x4000  }
0x23: {  	p0 =	por !p0, !p0;
	[sflag:s19] =	ssyncset.done @!p1 $0x0;
	s10 =	smov.u32 s17  }
0x24: {  	s18 =	simm.s32 @p3 $0x0;
	s14 =	smov.u32 s11;
	[sflag:s19] =	ssyncadd.s32 @!p1 $0xFFFFC000  }
0x25: {  	s11 =	smov.u32 s18;
	s13 =	sadd.s32 $0x1, s13;
	s12 =	smov.u32 s20  }
.LBB1_1:
0x26: {  	p1 =	sge.u32 s13, s7  }
0x27: {  	s20 =	smov.u32 s12;
	s17 =	sshrl.u32 @!p1 s11, $0x3  }
0x28: {  	s22 =	smov.u32 s11;
	s18 =	sshll.u32 @!p1 s10, $0x3;
	s17 =	smul.u32 @!p1 $0x62000, s17  }
0x29: {  	s19 =	sand.u32 @!p1 $0x7F, s10;
	p2 =	sgt.s32 @!p1 s12, $0x3;
	s18 =	sand.u32 @!p1 $0xFFFFFC00, s18  }
0x2a: {  	p2 =	por !p2, p1;
	s17 =	sadd.s32 @!p1 s17, s18;
	s18 =	sshll.u32 @!p1 s11, $0x7  }
0x2b: {  	s21 =	sshra.s32 @!p1 s12, $0x1F;
	s20 =	simm.s32 @p2 $0x3;
	s18 =	sand.u32 @!p1 $0x380, s18  }
0x2c: {  	p2 =	sgt.s32 @!p1 s11, $0xFFFFFFE0;
	s18 =	sor.u32 @!p1 s19, s18;
	s19 =	sand.u32 @!p1 s21, s12  }
0x2d: {  	s23 =	sshra.s32 @!p1 s11, $0x1F;
	p2 =	por !p2, p1;
	s19 =	ssub.s32 @!p1 s20, s19  }
0x2e: {  	s22 =	simm.s32 @p2 $0xFFFFFFE0;
	p2 =	sgt.s32 @!p1 s10, $0xC380;
	s20 =	sadd.s32 @!p1 $0xFFFFFFFD, s19  }
0x2f: {  	s21 =	smulhi.u32 @!p1 $0x5397829D, s17;
	p3 =	sgt.s32 @!p1 s20, $0x0;
	s20 =	sand.u32 @!p1 s23, s11  }
0x30: {  	p2 =	por !p2, p1;
	s19 =	ssub.s32 @!p1 $0x4, s19;
	s20 =	ssub.s32 @!p1 s22, s20  }
0x31: {  	s23 =	smov.u32 s10;
	p3 =	por !p3, p1;
	s22 =	sadd.s32 @!p1 $0x20, s20  }
0x32: {  	s23 =	simm.s32 @p2 $0xC380;
	p2 =	sgt.s32 @!p1 s22, $0x7F;
	s22 =	sshra.s32 @!p1 s10, $0x1F  }
0x33: {  	s20 =	ssub.s32 @!p1 $0x60, s20;
	p2 =	por !p2, p1;
	s22 =	sand.u32 @!p1 s22, s10  }
0x34: {  	s19 =	simm.s32 @!p3 $0x0;
	s22 =	ssub.s32 @!p1 s23, s22;
	s20 =	simm.s32 @!p2 $0x0  }
0x35: {  	s21 =	sshrl.u32 @!p1 s21, $0xE;
	s19 =	smul.u32 @!p1 s19, s20;
	s20 =	sadd.s32 @!p1 $0xFFFF3C80, s22  }
0x36: {  	s17 =	sor.u32 @!p1 s17, s18;
	s18 =	smulhi.u32 @!p1 $0x2AAAAAB, s21;
	p2 =	sgt.s32 @!p1 s20, $0x7F  }
0x37: {  	s22 =	ssub.s32 @!p1 $0xC400, s22;
	s20 =	smulhi.u32 @!p1 $0x5397829D, s17;
	p2 =	por !p2, p1  }
0x38: {  	s18 =	smul.u32 @!p1 $0x60, s18;
	s22 =	simm.s32 @!p2 $0x0  }
0x39: {  	s20 =	sshrl.u32 @!p1 s20, $0xE;
	s19 =	smul.u32 @!p1 s22, s19  }
0x3a: {  	s31 =	sadd.s32 $0xFFFFFFFF, s13;
	s22 =	sxor.u32 @!p1 $0xFFFFFFFF, s13;
	s20 =	smul.u32 @!p1 $0xC400, s20  }
0x3b: {  	s18 =	ssub.s32 @!p1 s21, s18;
	s21 =	smul.u32 @!p1 $0x93000, s12;
	s22 =	sshll.u32 @!p1 s22, $0xE  }
0x3c: {  	s18 =	smul.u32 @!p1 $0x1880, s18;
	s22 =	sand.u32 @!p1 $0x4000, s22;
	s17 =	ssub.s32 @!p1 s17, s20  }
0x3d: {  	s19 =	sand.u32 @!p1 $0x3FFFFFFF, s19;
	s20 =	sadd.s32 @!p1 s2, s21;
	s21 =	sand.u32 @!p1 $0x7, s17  }
0x3e: {  	s17 =	sshrl.u32 @!p1 s17, $0x3;
	s18 =	sadd.s32 @!p1 s18, s20;
	s20 =	sshll.u32 @!p1 s21, $0x12  }
0x3f: {  	s17 =	sadd.s32 @!p1 s17, s18;
	s18 =	sor.u32 @!p1 $0x400, s20;
	s20 =	simm.s32 @!p1 $0x62000  }
0x40: {  	[tilespmem:s22], [sflag:$0x1] =	stream.strided.gather @!p1 [hbm4b:s17+s18], s19, s20, s18, $0x38;
	[tilespmem:$0x10100] =	vst v63  }
0x41: {  	p1 =	sge.u32 s31, s7  }
.Ltmp2:
0x42: {  	_ = 	snop;
	(pc) =	sbr.rel @p1 .LBB1_5-.Ltmp2, $1  }
0x43: {  	_ =	sdelay $0x3  }
0x44: {  	p1 =	sgt.s32 s16, $0x3;
	s17 =	smov.u32 s16;
	s18 =	sshra.s32 s16, $0x1F  }
0x45: {  	s17 =	simm.s32 @!p1 $0x3;
	s18 =	sand.u32 s18, s16  }
0x46: {  	s17 =	ssub.s32 s17, s18  }
0x47: {  	p2 =	sgt.s32 s14, $0xFFFFFFE0;
	s19 =	sshra.s32 s14, $0x1F;
	s18 =	sadd.s32 $0xFFFFFFFD, s17  }
0x48: {  	s20 =	sshra.s32 s15, $0x1F;
	p1 =	sgt.s32 s18, $0x0;
	s18 =	smov.u32 s14  }
0x49: {  	s19 =	sand.u32 s19, s14;
	s20 =	sand.u32 s20, s15;
	s18 =	simm.s32 @!p2 $0xFFFFFFE0  }
0x4a: {  	p2 =	sgt.s32 s15, $0xC380;
	s18 =	ssub.s32 s18, s19;
	s19 =	smov.u32 s15  }
0x4b: {  	s17 =	ssub.s32 $0x4, s17;
	s21 =	sadd.s32 $0x20, s18;
	s19 =	simm.s32 @!p2 $0xC380  }
0x4c: {  	s18 =	ssub.s32 $0x60, s18;
	p2 =	sgt.s32 s21, $0x7F;
	s19 =	ssub.s32 s19, s20  }
0x4d: {  	s17 =	simm.s32 @p1 $0x0;
	s18 =	simm.s32 @p2 $0x0;
	s20 =	sadd.s32 $0xFFFF3C80, s19  }
0x4e: {  	s17 =	smul.u32 s17, s18;
	p1 =	sgt.s32 s20, $0x7F;
	s18 =	ssub.s32 $0xC400, s19  }
0x4f: {  	s18 =	simm.s32 @p1 $0x0  }
0x50: {  	s17 =	smul.u32 s18, s17;
	_ =	sdelay $0x1  }
0x51: {  	s18 =	simm.s32 $0x1;
	s17 =	sand.u32 $0x3FFFFFFF, s17  }
0x52: {  	s18 =	simm.s32 @!p0 $0x0;
	_ =	swait.ge [sflag:s6], s17  }
0x53: {  	s28 =	sshll.u32 s18, $0xE;
	s17 =	ssub.s32 $0x0, s17;
	[sflag:s6] =	ssyncset.done $0x0  }
0x54: {  	s29 =	sor.u32 $0x40, s28;
	[sflag:s6] =	ssyncadd.s32 s17  }
0x55: {  	s30 =	smul.u32 $0x10200, s18;
	v0 =	vld [tilespmem:s29+$0x30]  }
0x56: {  	v3 =	vld [tilespmem:s29+$0xFFFFFFD0]  }
0x57: {  	s17 =	sshrl.u32 s30, $0x2;
	v4 =	vld [tilespmem:s29+$0xFFFFFFE0]  }
0x58: {  	s18 =	sor.u32 $0x8000, s17;
	v5 =	vld [tilespmem:s29+$0xFFFFFFF0]  }
0x59: {  	s31 =	sand.u32 $0x1, s13;
	v1 =	vld [tilespmem:s29+$0x0];
	s19 =	sadd.s32 $0x0, s18  }
0x5a: {  	s17 =	smul.u32 $0x10200, s31;
	v2 =	vld [tilespmem:s29+$0x10];
	[tilespmem:s19+$0x3870 ss:$0x81] =	vst.msk $0xffff, v0  }
0x5b: {  	[tilespmem:s19+$0x810 ss:$0x81] =	vst.msk $0xffff, v3;
	v3 =	vld [tilespmem:s29+$0x20]  }
0x5c: {  	s20 =	sadd.s32 $0x80, s29;
	s17 =	sshrl.u32 s17, $0x2;
	v0 =	vld [tilespmem:s29+$0xFFFFFFC0];
	[tilespmem:s19+$0x1020 ss:$0x81] =	vst.msk $0xffff, v4  }
0x5d: {  	s22 =	simm.s32 $0x8;
	s21 =	simm.s32 $0x4;
	s17 =	sor.u32 $0x8000, s17;
	v4 =	vld [tilespmem:s20+$0x30];
	[tilespmem:s19+$0x1830 ss:$0x81] =	vst.msk $0xffff, v5  }
.LBB1_3:
0x5e: {  	p1 =	sne.s32 s22, $0x1FC;
	v5 =	vld [tilespmem:s20+$0xFFFFFFD0];
	[tilespmem:s19+$0x2040 ss:$0x81] =	vst.msk $0xffff, v1  }
0x5f: {  	v6 =	vld [tilespmem:s20+$0xFFFFFFE0];
	[tilespmem:s19+$0x2850 ss:$0x81] =	vst.msk $0xffff, v2  }
0x60: {  	s23 =	sshra.s32 s21, $0x2;
	s21 =	smov.u32 s22;
	v7 =	vld [tilespmem:s20+$0xFFFFFFF0];
	[tilespmem:s19+$0x3060 ss:$0x81] =	vst.msk $0xffff, v3  }
.Ltmp3:
0x61: {  	v1 =	vld [tilespmem:s20+$0x0];
	[tilespmem:s19+$0x0 ss:$0x81] =	vst.msk $0xffff, v0;
	s19 =	sadd.s32 s23, s18;
	(pc) =	sbr.rel @p1 .LBB1_3-.Ltmp3, $4  }
0x62: {  	v2 =	vld [tilespmem:s20+$0x10];
	[tilespmem:s19+$0x3870 ss:$0x81] =	vst.msk $0xffff, v4  }
0x63: {  	[tilespmem:s19+$0x810 ss:$0x81] =	vst.msk $0xffff, v5;
	v3 =	vld [tilespmem:s20+$0x20]  }
0x64: {  	v0 =	vld [tilespmem:s20+$0xFFFFFFC0];
	[tilespmem:s19+$0x1020 ss:$0x81] =	vst.msk $0xffff, v6;
	s20 =	sadd.s32 $0x80, s20  }
0x65: {  	s22 =	sadd.s32 $0x4, s22;
	v4 =	vld [tilespmem:s20+$0x30];
	[tilespmem:s19+$0x1830 ss:$0x81] =	vst.msk $0xffff, v7  }
.Ltmp4:
0x66: {  	_ = 	snop;
	(pc) =	sbr.rel .LBB1_4-.Ltmp4, $1  }
0x67: {  	_ =	sdelay $0x3  }
.LBB1_6:
0x68: {  	_ =	sfence.sel $0x180000  }
0x69: {  	s2 =	simm.s32 $0x1;
	[bflag:$0x0] =	sbarrier.arrive $0xFFFF  }
0x6a: {  	s31 =	simm.s32 $0x2;
	[sflag:s2] =	ssyncpa.u1 $0x1  }
0x6b: {  	[sflag:s31] =	ssyncpa.u1 $0x1  }
0x6c: {  	p0 =	sne.s32 s0, $0x0;
	_ =	strace $0x90000047  }
0x6d: {  	s0 =	sadd.s32 @!p0 $0x100000, s1;
	[bflag:$0x2] =	sbarrier.arrive $0xFFFF  }
0x6e: {  	[sflag:s0] =	ssyncadd.tile.s32 @!p0 $0x1;
	_ =	shalt  }
.Lfunc_end1:
_tile_overlayer_lowered:
.L_overlay_start_2:
0x6f: {  	(tag) =	ssettag $0x2  }
0x70: {  	s0 =	rddreg [dreg:$0x0];
	s2 =	stileid.u32  }
0x71: {  	s1 =	rddreg [dreg:$0x1];
	p0 =	sne.s32 s2, $0x0  }
0x72: {  	s3 =	rddreg [dreg:$0x2];
	[bflag:$0x3] =	sbarrier.arrive $0xFFFF;
	s2 =	simm.s32 @!p0 $0x1C01  }
0x73: {  	[timem:s3], [sflag:s2] =	dma.local @!p0 [hbm:s0], s1  }
0x74: {  	s0 =	simm.s32 @!p0 $0x1  }
0x75: {  	_ =	swait.ge @!p0 [sflag:s0], s1  }
0x76: {  	s1 =	ssub.s32 @!p0 $0x0, s1;
	[sflag:s0] =	ssyncset.done @!p0 $0x0  }
0x77: {  	[sflag:s0] =	ssyncadd.s32 @!p0 s1  }
0x78: {  	[bflag:$0x3] =	sbarrier.arrive $0xFFFF  }
0x79: {  	_ =	shalt  }

</sc_bundles>
